<compile_context>
chip_gen: v7x
topology: tpu7x:2x2x1
jax: 0.10.2.dev20260603
libtpu: 0.0.44.dev20260713+nightly
codegen_flags: <defaults>
</compile_context>

<pallas_src>
import functools

import jax
import jax.numpy as jnp
from jax import lax
from jax.experimental import pallas as pl
from jax.experimental.pallas import tpu as pltpu
from jax.experimental.pallas import tpu_sc as plsc

NUM_RES_TYPES = 22
EMBED_DIM = 64
E = 800000
NC = 2
NS = 16
NW = NC * NS
B = 256
NCH = E // B
NB = 2
IT = -(-NCH // NW)
assert IT % NB == 0


def _sc_body(idx_i_hbm, idx_j_hbm, ptable_hbm, out_hbm,
             idxi0, idxj0, cidx0, emb0, idxi1, idxj1, cidx1, emb1,
             semi0, semi1, semg0, semg1, semw0, semw1):
    wid = lax.axis_index("s") * NC + lax.axis_index("c")
    idxi = (idxi0, idxi1)
    idxj = (idxj0, idxj1)
    cidx = (cidx0, cidx1)
    emb = (emb0, emb1)
    semi = (semi0, semi1)
    semg = (semg0, semg1)
    semw = (semw0, semw1)

    def start_idx(t, b):
        ch = wid + t * NW

        @pl.when(ch < NCH)
        def _():
            base = ch * B
            pltpu.async_copy(idx_i_hbm.at[pl.ds(base, B)], idxi[b], semi[b])
            pltpu.async_copy(idx_j_hbm.at[pl.ds(base, B)], idxj[b], semi[b])

    start_idx(0, 0)
    start_idx(1, 1)

    def outer(t0, carry):
        for b in range(NB):
            t = t0 + b
            ch = wid + t * NW
            ch_prev = ch - NB * NW

            @pl.when(jnp.logical_and(t0 >= NB, ch_prev < NCH))
            def _():
                pltpu.make_async_copy(
                    emb[b], out_hbm.at[pl.ds(0, B)], semw[b]).wait()

            @pl.when(ch < NCH)
            def _():
                base = ch * B
                pltpu.make_async_copy(
                    idx_i_hbm.at[pl.ds(base, B)], idxi[b], semi[b]).wait()
                pltpu.make_async_copy(
                    idx_j_hbm.at[pl.ds(base, B)], idxj[b], semi[b]).wait()

                def cbody(r, c2):
                    vi = idxi[b][pl.ds(r * 16, 16)]
                    vj = idxj[b][pl.ds(r * 16, 16)]
                    cidx[b][pl.ds(r * 16, 16)] = vi * NUM_RES_TYPES + vj
                    return c2

                lax.fori_loop(0, B // 16, cbody, 0)
                start_idx(t + NB, b)
                pltpu.async_copy(ptable_hbm.at[cidx[b]], emb[b], semg[b]).wait()
                pltpu.async_copy(emb[b], out_hbm.at[pl.ds(base, B)], semw[b])

        return carry

    lax.fori_loop(0, IT // NB, lambda s, c: outer(s * NB, c), 0)

    for b in range(NB):
        ch_last = wid + (IT - NB + b) * NW

        @pl.when(ch_last < NCH)
        def _():
            pltpu.make_async_copy(emb[b], out_hbm.at[pl.ds(0, B)], semw[b]).wait()


@jax.jit
def kernel(residue_idx_i, residue_idx_j, embed_table):
    ptable = jnp.concatenate(
        [jnp.repeat(embed_table, NUM_RES_TYPES, axis=0),
         jnp.tile(embed_table, (NUM_RES_TYPES, 1))], axis=1)
    mesh = plsc.VectorSubcoreMesh(core_axis_name="c", subcore_axis_name="s")
    f = functools.partial(
        pl.kernel,
        mesh=mesh,
        out_type=jax.ShapeDtypeStruct((E, 2 * EMBED_DIM), jnp.float32),
        scratch_types=[
            pltpu.VMEM((B,), jnp.int32),
            pltpu.VMEM((B,), jnp.int32),
            pltpu.VMEM((B,), jnp.int32),
            pltpu.VMEM((B, 2 * EMBED_DIM), jnp.float32),
            pltpu.VMEM((B,), jnp.int32),
            pltpu.VMEM((B,), jnp.int32),
            pltpu.VMEM((B,), jnp.int32),
            pltpu.VMEM((B, 2 * EMBED_DIM), jnp.float32),
            pltpu.SemaphoreType.DMA,
            pltpu.SemaphoreType.DMA,
            pltpu.SemaphoreType.DMA,
            pltpu.SemaphoreType.DMA,
            pltpu.SemaphoreType.DMA,
            pltpu.SemaphoreType.DMA,
        ],
    )(_sc_body)
    return f(residue_idx_i.astype(jnp.int32), residue_idx_j.astype(jnp.int32),
             ptable)

# --- scband reference (transcript-rebuilt; emitter-appended) ---
"""Pipeline reference for scband-residue-embedding-82008105550305 (READ-ONLY COPY).

The authoritative reference and input builder live on the scoring server;
editing this copy changes nothing except your own understanding.
"""

import jax, jax.numpy as jnp
import numpy as np

NUM_RES_TYPES = 22
EMBED_DIM = 64
E = 800000


def setup_inputs(seed: int = 0) -> dict:
    key = jax.random.key(seed)
    k1, k2, k3 = jax.random.split(key, 3)
    residue_idx_i = jax.random.randint(k1, (E,), 0, NUM_RES_TYPES, dtype=jnp.int64 if jax.config.jax_enable_x64 else jnp.int32)
    residue_idx_j = jax.random.randint(k2, (E,), 0, NUM_RES_TYPES, dtype=jnp.int64 if jax.config.jax_enable_x64 else jnp.int32)
    embed_table = jax.random.normal(k3, (NUM_RES_TYPES, EMBED_DIM), dtype=jnp.float32)
    return {"residue_idx_i": residue_idx_i, "residue_idx_j": residue_idx_j, "embed_table": embed_table}


def reference(residue_idx_i, residue_idx_j, embed_table):
    # emb_i = self.embed(residue_idx_i); emb_j = self.embed(residue_idx_j)
    emb_i = jnp.take(embed_table, residue_idx_i, axis=0)
    emb_j = jnp.take(embed_table, residue_idx_j, axis=0)
    # torch.cat([emb_i, emb_j], dim=-1)
    return jnp.concatenate([emb_i, emb_j], axis=-1)

if __name__ == "__main__":
    import jax
    _d = setup_inputs()
    print(jax.jit(kernel)(*tuple(_d.values())))

</pallas_src>

<mosaic_0001>
#map = affine_map<(d0, d1) -> (0)>
#map1 = affine_map<(d0, d1) -> (0, 0)>
module attributes {stable_mosaic.version = 14 : i64} {
  func.func @_sc_body(%arg0: i32, %arg1: i32, %arg2: memref<800000xi32, #tpu.memory_space<hbm>>, %arg3: memref<800000xi32, #tpu.memory_space<hbm>>, %arg4: memref<484x128xf32, #tpu.memory_space<hbm>>, %arg5: memref<800000x128xf32, #tpu.memory_space<hbm>>, %arg6: memref<256xi32, #tpu.memory_space<vmem>>, %arg7: memref<256xi32, #tpu.memory_space<vmem>>, %arg8: memref<256xi32, #tpu.memory_space<vmem>>, %arg9: memref<256x128xf32, #tpu.memory_space<vmem>>, %arg10: memref<256xi32, #tpu.memory_space<vmem>>, %arg11: memref<256xi32, #tpu.memory_space<vmem>>, %arg12: memref<256xi32, #tpu.memory_space<vmem>>, %arg13: memref<256x128xf32, #tpu.memory_space<vmem>>, %arg14: memref<!tpu.dma_semaphore, #tpu.memory_space<semaphore_mem>>, %arg15: memref<!tpu.dma_semaphore, #tpu.memory_space<semaphore_mem>>, %arg16: memref<!tpu.dma_semaphore, #tpu.memory_space<semaphore_mem>>, %arg17: memref<!tpu.dma_semaphore, #tpu.memory_space<semaphore_mem>>, %arg18: memref<!tpu.dma_semaphore, #tpu.memory_space<semaphore_mem>>, %arg19: memref<!tpu.dma_semaphore, #tpu.memory_space<semaphore_mem>>) attributes {dimension_semantics = [#tpu.dimension_semantics<core_parallel>, #tpu.dimension_semantics<subcore_parallel>], iteration_bounds = array<i64: 2, 16>, scalar_prefetch = 0 : i64, scratch_operands = 14 : i64, tpu.core_type = #tpu.core_type<sc_vector_subcore>, window_params = [{transform_indices = #map}, {transform_indices = #map}, {transform_indices = #map1}, {transform_indices = #map1}]} {
    %mul3A = arith.constant 2 : i32
    %mul3A_0 = arith.muli %arg1, %mul3A : i32
    %add3A = arith.addi %mul3A_0, %arg0 : i32
    %add3A_1 = arith.constant 0 : i32
    %add3A_2 = arith.addi %add3A, %add3A_1 : i32
    %lt3A = arith.constant 3125 : i32
    %lt3A_3 = arith.cmpi slt, %add3A_2, %lt3A : i32
    %convert_element_type3A = arith.extui %lt3A_3 : i1 to i32
    %cond3A = arith.constant 0 : i32
    %cond3A_4 = arith.cmpi ne, %convert_element_type3A, %cond3A : i32
    scf.if %cond3A_4 {
      %mul3A_31 = arith.constant 256 : i32
      %mul3A_32 = arith.muli %add3A_2, %mul3A_31 : i32
      %dma_start3A = tpu.memref_slice %arg2[%mul3A_32] : memref<800000xi32, #tpu.memory_space<hbm>> -> memref<256xi32, #tpu.memory_space<hbm>>
      %dma_start3A_33 = tpu.memref_slice %arg2[%mul3A_32] : memref<800000xi32, #tpu.memory_space<hbm>> -> memref<256xi32, #tpu.memory_space<hbm>>
      tpu.enqueue_dma source(%dma_start3A_33 : memref<256xi32, #tpu.memory_space<hbm>>) target(%arg6 : memref<256xi32, #tpu.memory_space<vmem>>) target_semaphore(%arg14 : memref<!tpu.dma_semaphore, #tpu.memory_space<semaphore_mem>>)
      %dma_start3A_34 = tpu.memref_slice %arg3[%mul3A_32] : memref<800000xi32, #tpu.memory_space<hbm>> -> memref<256xi32, #tpu.memory_space<hbm>>
      %dma_start3A_35 = tpu.memref_slice %arg3[%mul3A_32] : memref<800000xi32, #tpu.memory_space<hbm>> -> memref<256xi32, #tpu.memory_space<hbm>>
      tpu.enqueue_dma source(%dma_start3A_35 : memref<256xi32, #tpu.memory_space<hbm>>) target(%arg7 : memref<256xi32, #tpu.memory_space<vmem>>) target_semaphore(%arg14 : memref<!tpu.dma_semaphore, #tpu.memory_space<semaphore_mem>>)
    } else {
    }
    %add3A_5 = arith.constant 32 : i32
    %add3A_6 = arith.addi %add3A, %add3A_5 : i32
    %lt3A_7 = arith.constant 3125 : i32
    %lt3A_8 = arith.cmpi slt, %add3A_6, %lt3A_7 : i32
    %convert_element_type3A_9 = arith.extui %lt3A_8 : i1 to i32
    %cond3A_10 = arith.constant 0 : i32
    %cond3A_11 = arith.cmpi ne, %convert_element_type3A_9, %cond3A_10 : i32
    scf.if %cond3A_11 {
      %mul3A_31 = arith.constant 256 : i32
      %mul3A_32 = arith.muli %add3A_6, %mul3A_31 : i32
      %dma_start3A = tpu.memref_slice %arg2[%mul3A_32] : memref<800000xi32, #tpu.memory_space<hbm>> -> memref<256xi32, #tpu.memory_space<hbm>>
      %dma_start3A_33 = tpu.memref_slice %arg2[%mul3A_32] : memref<800000xi32, #tpu.memory_space<hbm>> -> memref<256xi32, #tpu.memory_space<hbm>>
      tpu.enqueue_dma source(%dma_start3A_33 : memref<256xi32, #tpu.memory_space<hbm>>) target(%arg10 : memref<256xi32, #tpu.memory_space<vmem>>) target_semaphore(%arg15 : memref<!tpu.dma_semaphore, #tpu.memory_space<semaphore_mem>>)
      %dma_start3A_34 = tpu.memref_slice %arg3[%mul3A_32] : memref<800000xi32, #tpu.memory_space<hbm>> -> memref<256xi32, #tpu.memory_space<hbm>>
      %dma_start3A_35 = tpu.memref_slice %arg3[%mul3A_32] : memref<800000xi32, #tpu.memory_space<hbm>> -> memref<256xi32, #tpu.memory_space<hbm>>
      tpu.enqueue_dma source(%dma_start3A_35 : memref<256xi32, #tpu.memory_space<hbm>>) target(%arg11 : memref<256xi32, #tpu.memory_space<vmem>>) target_semaphore(%arg15 : memref<!tpu.dma_semaphore, #tpu.memory_space<semaphore_mem>>)
    } else {
    }
    %scan3A = arith.constant 0 : i32
    %scan3A_12 = arith.constant 0 : i32
    %scan3A_13 = arith.constant 49 : i32
    %scan3A_14 = arith.addi %scan3A_12, %scan3A_13 : i32
    %scan3A_15 = arith.constant 1 : i32
    scf.for %scan3A_31 = %scan3A_12 to %scan3A_14 step %scan3A_15  : i32 {
      %mul3A_32 = arith.constant 2 : i32
      %mul3A_33 = arith.muli %scan3A_31, %mul3A_32 : i32
      %add3A_34 = arith.constant 0 : i32
      %add3A_35 = arith.addi %mul3A_33, %add3A_34 : i32
      %mul3A_36 = arith.constant 32 : i32
      %mul3A_37 = arith.muli %add3A_35, %mul3A_36 : i32
      %add3A_38 = arith.addi %add3A, %mul3A_37 : i32
      %sub3A = arith.constant 64 : i32
      %sub3A_39 = arith.subi %add3A_38, %sub3A : i32
      %ge3A = arith.constant 2 : i32
      %ge3A_40 = arith.cmpi sge, %mul3A_33, %ge3A : i32
      %lt3A_41 = arith.constant 3125 : i32
      %lt3A_42 = arith.cmpi slt, %sub3A_39, %lt3A_41 : i32
      %and3A = arith.andi %ge3A_40, %lt3A_42 : i1
      %convert_element_type3A_43 = arith.extui %and3A : i1 to i32
      %cond3A_44 = arith.constant 0 : i32
      %cond3A_45 = arith.cmpi ne, %convert_element_type3A_43, %cond3A_44 : i32
      scf.if %cond3A_45 {
        %dma_wait3A = arith.constant 0 : i32
        %dma_wait3A_71 = arith.constant 0 : i32
        %dma_wait3A_72 = tpu.memref_slice %arg5[%dma_wait3A, %dma_wait3A_71] : memref<800000x128xf32, #tpu.memory_space<hbm>> -> memref<256x128xf32, #tpu.memory_space<hbm>>
        %dma_wait3A_73 = arith.constant 0 : i32
        %dma_wait3A_74 = arith.constant 0 : i32
        %dma_wait3A_75 = tpu.memref_slice %arg5[%dma_wait3A_73, %dma_wait3A_74] : memref<800000x128xf32, #tpu.memory_space<hbm>> -> memref<256x128xf32, #tpu.memory_space<hbm>>
        tpu.wait_dma2 semaphore(%arg18 : memref<!tpu.dma_semaphore, #tpu.memory_space<semaphore_mem>>) src(%arg9 : memref<256x128xf32, #tpu.memory_space<vmem>>) dst(%dma_wait3A_75 : memref<256x128xf32, #tpu.memory_space<hbm>>)
      } else {
      }
      %lt3A_46 = arith.constant 3125 : i32
      %lt3A_47 = arith.cmpi slt, %add3A_38, %lt3A_46 : i32
      %convert_element_type3A_48 = arith.extui %lt3A_47 : i1 to i32
      %cond3A_49 = arith.constant 0 : i32
      %cond3A_50 = arith.cmpi ne, %convert_element_type3A_48, %cond3A_49 : i32
      scf.if %cond3A_50 {
        %mul3A_71 = arith.constant 256 : i32
        %mul3A_72 = arith.muli %add3A_38, %mul3A_71 : i32
        %dma_wait3A = tpu.memref_slice %arg2[%mul3A_72] : memref<800000xi32, #tpu.memory_space<hbm>> -> memref<256xi32, #tpu.memory_space<hbm>>
        %dma_wait3A_73 = tpu.memref_slice %arg2[%mul3A_72] : memref<800000xi32, #tpu.memory_space<hbm>> -> memref<256xi32, #tpu.memory_space<hbm>>
        tpu.wait_dma2 semaphore(%arg14 : memref<!tpu.dma_semaphore, #tpu.memory_space<semaphore_mem>>) src(%dma_wait3A_73 : memref<256xi32, #tpu.memory_space<hbm>>) dst(%arg6 : memref<256xi32, #tpu.memory_space<vmem>>)
        %dma_wait3A_74 = tpu.memref_slice %arg3[%mul3A_72] : memref<800000xi32, #tpu.memory_space<hbm>> -> memref<256xi32, #tpu.memory_space<hbm>>
        %dma_wait3A_75 = tpu.memref_slice %arg3[%mul3A_72] : memref<800000xi32, #tpu.memory_space<hbm>> -> memref<256xi32, #tpu.memory_space<hbm>>
        tpu.wait_dma2 semaphore(%arg14 : memref<!tpu.dma_semaphore, #tpu.memory_space<semaphore_mem>>) src(%dma_wait3A_75 : memref<256xi32, #tpu.memory_space<hbm>>) dst(%arg7 : memref<256xi32, #tpu.memory_space<vmem>>)
        %scan3A_76 = arith.constant 0 : i32
        %scan3A_77 = arith.constant 0 : i32
        %scan3A_78 = arith.constant 16 : i32
        %scan3A_79 = arith.addi %scan3A_77, %scan3A_78 : i32
        %scan3A_80 = arith.constant 1 : i32
        scf.for %scan3A_101 = %scan3A_77 to %scan3A_79 step %scan3A_80  : i32 {
          %mul3A_102 = arith.constant 16 : i32
          %mul3A_103 = arith.muli %scan3A_101, %mul3A_102 : i32
          %get3A = arith.index_cast %mul3A_103 : i32 to index
          %get3A_104 = tpu.vector_load %arg6[%get3A] {strides = array<i32>} : memref<256xi32, #tpu.memory_space<vmem>>, vector<16xi32>,
          %get3A_105 = vector.shape_cast %get3A_104 : vector<16xi32> to vector<16xi32>
          %mul3A_106 = arith.constant 16 : i32
          %mul3A_107 = arith.muli %scan3A_101, %mul3A_106 : i32
          %get3A_108 = arith.index_cast %mul3A_107 : i32 to index
          %get3A_109 = tpu.vector_load %arg7[%get3A_108] {strides = array<i32>} : memref<256xi32, #tpu.memory_space<vmem>>, vector<16xi32>,
          %get3A_110 = vector.shape_cast %get3A_109 : vector<16xi32> to vector<16xi32>
          %mul3A_111 = arith.constant 22 : i32
          %mul3A_112 = vector.broadcast %mul3A_111 : i32 to vector<16xi32>
          %mul3A_113 = arith.muli %get3A_105, %mul3A_112 : vector<16xi32>
          %add3A_114 = arith.addi %mul3A_113, %get3A_110 : vector<16xi32>
          %mul3A_115 = arith.constant 16 : i32
          %mul3A_116 = arith.muli %scan3A_101, %mul3A_115 : i32
          %swap3A = arith.index_cast %mul3A_116 : i32 to index
          %swap3A_117 = tpu.vector_load %arg8[%swap3A] {strides = array<i32>} : memref<256xi32, #tpu.memory_space<vmem>>, vector<16xi32>,
          %swap3A_118 = vector.shape_cast %swap3A_117 : vector<16xi32> to vector<16xi32>
          %swap3A_119 = vector.shape_cast %add3A_114 : vector<16xi32> to vector<16xi32>
          tpu.vector_store %arg8[%swap3A], %swap3A_119 {strides = array<i32>} : memref<256xi32, #tpu.memory_space<vmem>>, vector<16xi32>,
        }
        %scan3A_81 = arith.constant 16 : i32
        %add3A_82 = arith.constant 2 : i32
        %add3A_83 = arith.addi %add3A_35, %add3A_82 : i32
        %mul3A_84 = arith.constant 32 : i32
        %mul3A_85 = arith.muli %add3A_83, %mul3A_84 : i32
        %add3A_86 = arith.addi %add3A, %mul3A_85 : i32
        %lt3A_87 = arith.constant 3125 : i32
        %lt3A_88 = arith.cmpi slt, %add3A_86, %lt3A_87 : i32
        %convert_element_type3A_89 = arith.extui %lt3A_88 : i1 to i32
        %cond3A_90 = arith.constant 0 : i32
        %cond3A_91 = arith.cmpi ne, %convert_element_type3A_89, %cond3A_90 : i32
        scf.if %cond3A_91 {
          %mul3A_101 = arith.constant 256 : i32
          %mul3A_102 = arith.muli %add3A_86, %mul3A_101 : i32
          %dma_start3A_103 = tpu.memref_slice %arg2[%mul3A_102] : memref<800000xi32, #tpu.memory_space<hbm>> -> memref<256xi32, #tpu.memory_space<hbm>>
          %dma_start3A_104 = tpu.memref_slice %arg2[%mul3A_102] : memref<800000xi32, #tpu.memory_space<hbm>> -> memref<256xi32, #tpu.memory_space<hbm>>
          tpu.enqueue_dma source(%dma_start3A_104 : memref<256xi32, #tpu.memory_space<hbm>>) target(%arg6 : memref<256xi32, #tpu.memory_space<vmem>>) target_semaphore(%arg14 : memref<!tpu.dma_semaphore, #tpu.memory_space<semaphore_mem>>)
          %dma_start3A_105 = tpu.memref_slice %arg3[%mul3A_102] : memref<800000xi32, #tpu.memory_space<hbm>> -> memref<256xi32, #tpu.memory_space<hbm>>
          %dma_start3A_106 = tpu.memref_slice %arg3[%mul3A_102] : memref<800000xi32, #tpu.memory_space<hbm>> -> memref<256xi32, #tpu.memory_space<hbm>>
          tpu.enqueue_dma source(%dma_start3A_106 : memref<256xi32, #tpu.memory_space<hbm>>) target(%arg7 : memref<256xi32, #tpu.memory_space<vmem>>) target_semaphore(%arg14 : memref<!tpu.dma_semaphore, #tpu.memory_space<semaphore_mem>>)
        } else {
        }
        %dma_start3A = arith.constant 0 : i32
        %dma_start3A_92 = arith.constant 0 : i32
        %dma_start3A_93 = tpu.memref_slice %arg4[%dma_start3A, %dma_start3A_92] : memref<484x128xf32, #tpu.memory_space<hbm>> -> memref<484x128xf32, #tpu.memory_space<hbm>>
        tpu.enqueue_indirect_dma source(%dma_start3A_93 : memref<484x128xf32, #tpu.memory_space<hbm>>) target(%arg9 : memref<256x128xf32, #tpu.memory_space<vmem>>) offsets(%arg8 : memref<256xi32, #tpu.memory_space<vmem>>) semaphore(%arg16 : memref<!tpu.dma_semaphore, #tpu.memory_space<semaphore_mem>>)
        %dma_wait3A_94 = arith.constant 0 : i32
        %dma_wait3A_95 = arith.constant 0 : i32
        %dma_wait3A_96 = tpu.memref_slice %arg4[%dma_wait3A_94, %dma_wait3A_95] : memref<484x128xf32, #tpu.memory_space<hbm>> -> memref<484x128xf32, #tpu.memory_space<hbm>>
        tpu.wait_indirect_dma semaphore(%arg16 : memref<!tpu.dma_semaphore, #tpu.memory_space<semaphore_mem>>) src(%dma_wait3A_96 : memref<484x128xf32, #tpu.memory_space<hbm>>) dst(%arg9 : memref<256x128xf32, #tpu.memory_space<vmem>>)
        %dma_start3A_97 = arith.constant 0 : i32
        %dma_start3A_98 = tpu.memref_slice %arg5[%mul3A_72, %dma_start3A_97] : memref<800000x128xf32, #tpu.memory_space<hbm>> -> memref<256x128xf32, #tpu.memory_space<hbm>>
        %dma_start3A_99 = arith.constant 0 : i32
        %dma_start3A_100 = tpu.memref_slice %arg5[%mul3A_72, %dma_start3A_99] : memref<800000x128xf32, #tpu.memory_space<hbm>> -> memref<256x128xf32, #tpu.memory_space<hbm>>
        tpu.enqueue_dma source(%arg9 : memref<256x128xf32, #tpu.memory_space<vmem>>) target(%dma_start3A_100 : memref<256x128xf32, #tpu.memory_space<hbm>>) target_semaphore(%arg18 : memref<!tpu.dma_semaphore, #tpu.memory_space<semaphore_mem>>)
      } else {
      }
      %add3A_51 = arith.constant 1 : i32
      %add3A_52 = arith.addi %mul3A_33, %add3A_51 : i32
      %mul3A_53 = arith.constant 32 : i32
      %mul3A_54 = arith.muli %add3A_52, %mul3A_53 : i32
      %add3A_55 = arith.addi %add3A, %mul3A_54 : i32
      %sub3A_56 = arith.constant 64 : i32
      %sub3A_57 = arith.subi %add3A_55, %sub3A_56 : i32
      %ge3A_58 = arith.constant 2 : i32
      %ge3A_59 = arith.cmpi sge, %mul3A_33, %ge3A_58 : i32
      %lt3A_60 = arith.constant 3125 : i32
      %lt3A_61 = arith.cmpi slt, %sub3A_57, %lt3A_60 : i32
      %and3A_62 = arith.andi %ge3A_59, %lt3A_61 : i1
      %convert_element_type3A_63 = arith.extui %and3A_62 : i1 to i32
      %cond3A_64 = arith.constant 0 : i32
      %cond3A_65 = arith.cmpi ne, %convert_element_type3A_63, %cond3A_64 : i32
      scf.if %cond3A_65 {
        %dma_wait3A = arith.constant 0 : i32
        %dma_wait3A_71 = arith.constant 0 : i32
        %dma_wait3A_72 = tpu.memref_slice %arg5[%dma_wait3A, %dma_wait3A_71] : memref<800000x128xf32, #tpu.memory_space<hbm>> -> memref<256x128xf32, #tpu.memory_space<hbm>>
        %dma_wait3A_73 = arith.constant 0 : i32
        %dma_wait3A_74 = arith.constant 0 : i32
        %dma_wait3A_75 = tpu.memref_slice %arg5[%dma_wait3A_73, %dma_wait3A_74] : memref<800000x128xf32, #tpu.memory_space<hbm>> -> memref<256x128xf32, #tpu.memory_space<hbm>>
        tpu.wait_dma2 semaphore(%arg19 : memref<!tpu.dma_semaphore, #tpu.memory_space<semaphore_mem>>) src(%arg13 : memref<256x128xf32, #tpu.memory_space<vmem>>) dst(%dma_wait3A_75 : memref<256x128xf32, #tpu.memory_space<hbm>>)
      } else {
      }
      %lt3A_66 = arith.constant 3125 : i32
      %lt3A_67 = arith.cmpi slt, %add3A_55, %lt3A_66 : i32
      %convert_element_type3A_68 = arith.extui %lt3A_67 : i1 to i32
      %cond3A_69 = arith.constant 0 : i32
      %cond3A_70 = arith.cmpi ne, %convert_element_type3A_68, %cond3A_69 : i32
      scf.if %cond3A_70 {
        %mul3A_71 = arith.constant 256 : i32
        %mul3A_72 = arith.muli %add3A_55, %mul3A_71 : i32
        %dma_wait3A = tpu.memref_slice %arg2[%mul3A_72] : memref<800000xi32, #tpu.memory_space<hbm>> -> memref<256xi32, #tpu.memory_space<hbm>>
        %dma_wait3A_73 = tpu.memref_slice %arg2[%mul3A_72] : memref<800000xi32, #tpu.memory_space<hbm>> -> memref<256xi32, #tpu.memory_space<hbm>>
        tpu.wait_dma2 semaphore(%arg15 : memref<!tpu.dma_semaphore, #tpu.memory_space<semaphore_mem>>) src(%dma_wait3A_73 : memref<256xi32, #tpu.memory_space<hbm>>) dst(%arg10 : memref<256xi32, #tpu.memory_space<vmem>>)
        %dma_wait3A_74 = tpu.memref_slice %arg3[%mul3A_72] : memref<800000xi32, #tpu.memory_space<hbm>> -> memref<256xi32, #tpu.memory_space<hbm>>
        %dma_wait3A_75 = tpu.memref_slice %arg3[%mul3A_72] : memref<800000xi32, #tpu.memory_space<hbm>> -> memref<256xi32, #tpu.memory_space<hbm>>
        tpu.wait_dma2 semaphore(%arg15 : memref<!tpu.dma_semaphore, #tpu.memory_space<semaphore_mem>>) src(%dma_wait3A_75 : memref<256xi32, #tpu.memory_space<hbm>>) dst(%arg11 : memref<256xi32, #tpu.memory_space<vmem>>)
        %scan3A_76 = arith.constant 0 : i32
        %scan3A_77 = arith.constant 0 : i32
        %scan3A_78 = arith.constant 16 : i32
        %scan3A_79 = arith.addi %scan3A_77, %scan3A_78 : i32
        %scan3A_80 = arith.constant 1 : i32
        scf.for %scan3A_101 = %scan3A_77 to %scan3A_79 step %scan3A_80  : i32 {
          %mul3A_102 = arith.constant 16 : i32
          %mul3A_103 = arith.muli %scan3A_101, %mul3A_102 : i32
          %get3A = arith.index_cast %mul3A_103 : i32 to index
          %get3A_104 = tpu.vector_load %arg10[%get3A] {strides = array<i32>} : memref<256xi32, #tpu.memory_space<vmem>>, vector<16xi32>,
          %get3A_105 = vector.shape_cast %get3A_104 : vector<16xi32> to vector<16xi32>
          %mul3A_106 = arith.constant 16 : i32
          %mul3A_107 = arith.muli %scan3A_101, %mul3A_106 : i32
          %get3A_108 = arith.index_cast %mul3A_107 : i32 to index
          %get3A_109 = tpu.vector_load %arg11[%get3A_108] {strides = array<i32>} : memref<256xi32, #tpu.memory_space<vmem>>, vector<16xi32>,
          %get3A_110 = vector.shape_cast %get3A_109 : vector<16xi32> to vector<16xi32>
          %mul3A_111 = arith.constant 22 : i32
          %mul3A_112 = vector.broadcast %mul3A_111 : i32 to vector<16xi32>
          %mul3A_113 = arith.muli %get3A_105, %mul3A_112 : vector<16xi32>
          %add3A_114 = arith.addi %mul3A_113, %get3A_110 : vector<16xi32>
          %mul3A_115 = arith.constant 16 : i32
          %mul3A_116 = arith.muli %scan3A_101, %mul3A_115 : i32
          %swap3A = arith.index_cast %mul3A_116 : i32 to index
          %swap3A_117 = tpu.vector_load %arg12[%swap3A] {strides = array<i32>} : memref<256xi32, #tpu.memory_space<vmem>>, vector<16xi32>,
          %swap3A_118 = vector.shape_cast %swap3A_117 : vector<16xi32> to vector<16xi32>
          %swap3A_119 = vector.shape_cast %add3A_114 : vector<16xi32> to vector<16xi32>
          tpu.vector_store %arg12[%swap3A], %swap3A_119 {strides = array<i32>} : memref<256xi32, #tpu.memory_space<vmem>>, vector<16xi32>,
        }
        %scan3A_81 = arith.constant 16 : i32
        %add3A_82 = arith.constant 2 : i32
        %add3A_83 = arith.addi %add3A_52, %add3A_82 : i32
        %mul3A_84 = arith.constant 32 : i32
        %mul3A_85 = arith.muli %add3A_83, %mul3A_84 : i32
        %add3A_86 = arith.addi %add3A, %mul3A_85 : i32
        %lt3A_87 = arith.constant 3125 : i32
        %lt3A_88 = arith.cmpi slt, %add3A_86, %lt3A_87 : i32
        %convert_element_type3A_89 = arith.extui %lt3A_88 : i1 to i32
        %cond3A_90 = arith.constant 0 : i32
        %cond3A_91 = arith.cmpi ne, %convert_element_type3A_89, %cond3A_90 : i32
        scf.if %cond3A_91 {
          %mul3A_101 = arith.constant 256 : i32
          %mul3A_102 = arith.muli %add3A_86, %mul3A_101 : i32
          %dma_start3A_103 = tpu.memref_slice %arg2[%mul3A_102] : memref<800000xi32, #tpu.memory_space<hbm>> -> memref<256xi32, #tpu.memory_space<hbm>>
          %dma_start3A_104 = tpu.memref_slice %arg2[%mul3A_102] : memref<800000xi32, #tpu.memory_space<hbm>> -> memref<256xi32, #tpu.memory_space<hbm>>
          tpu.enqueue_dma source(%dma_start3A_104 : memref<256xi32, #tpu.memory_space<hbm>>) target(%arg10 : memref<256xi32, #tpu.memory_space<vmem>>) target_semaphore(%arg15 : memref<!tpu.dma_semaphore, #tpu.memory_space<semaphore_mem>>)
          %dma_start3A_105 = tpu.memref_slice %arg3[%mul3A_102] : memref<800000xi32, #tpu.memory_space<hbm>> -> memref<256xi32, #tpu.memory_space<hbm>>
          %dma_start3A_106 = tpu.memref_slice %arg3[%mul3A_102] : memref<800000xi32, #tpu.memory_space<hbm>> -> memref<256xi32, #tpu.memory_space<hbm>>
          tpu.enqueue_dma source(%dma_start3A_106 : memref<256xi32, #tpu.memory_space<hbm>>) target(%arg11 : memref<256xi32, #tpu.memory_space<vmem>>) target_semaphore(%arg15 : memref<!tpu.dma_semaphore, #tpu.memory_space<semaphore_mem>>)
        } else {
        }
        %dma_start3A = arith.constant 0 : i32
        %dma_start3A_92 = arith.constant 0 : i32
        %dma_start3A_93 = tpu.memref_slice %arg4[%dma_start3A, %dma_start3A_92] : memref<484x128xf32, #tpu.memory_space<hbm>> -> memref<484x128xf32, #tpu.memory_space<hbm>>
        tpu.enqueue_indirect_dma source(%dma_start3A_93 : memref<484x128xf32, #tpu.memory_space<hbm>>) target(%arg13 : memref<256x128xf32, #tpu.memory_space<vmem>>) offsets(%arg12 : memref<256xi32, #tpu.memory_space<vmem>>) semaphore(%arg17 : memref<!tpu.dma_semaphore, #tpu.memory_space<semaphore_mem>>)
        %dma_wait3A_94 = arith.constant 0 : i32
        %dma_wait3A_95 = arith.constant 0 : i32
        %dma_wait3A_96 = tpu.memref_slice %arg4[%dma_wait3A_94, %dma_wait3A_95] : memref<484x128xf32, #tpu.memory_space<hbm>> -> memref<484x128xf32, #tpu.memory_space<hbm>>
        tpu.wait_indirect_dma semaphore(%arg17 : memref<!tpu.dma_semaphore, #tpu.memory_space<semaphore_mem>>) src(%dma_wait3A_96 : memref<484x128xf32, #tpu.memory_space<hbm>>) dst(%arg13 : memref<256x128xf32, #tpu.memory_space<vmem>>)
        %dma_start3A_97 = arith.constant 0 : i32
        %dma_start3A_98 = tpu.memref_slice %arg5[%mul3A_72, %dma_start3A_97] : memref<800000x128xf32, #tpu.memory_space<hbm>> -> memref<256x128xf32, #tpu.memory_space<hbm>>
        %dma_start3A_99 = arith.constant 0 : i32
        %dma_start3A_100 = tpu.memref_slice %arg5[%mul3A_72, %dma_start3A_99] : memref<800000x128xf32, #tpu.memory_space<hbm>> -> memref<256x128xf32, #tpu.memory_space<hbm>>
        tpu.enqueue_dma source(%arg13 : memref<256x128xf32, #tpu.memory_space<vmem>>) target(%dma_start3A_100 : memref<256x128xf32, #tpu.memory_space<hbm>>) target_semaphore(%arg19 : memref<!tpu.dma_semaphore, #tpu.memory_space<semaphore_mem>>)
      } else {
      }
    }
    %scan3A_16 = arith.constant 49 : i32
    %add3A_17 = arith.constant 3072 : i32
    %add3A_18 = arith.addi %add3A, %add3A_17 : i32
    %lt3A_19 = arith.constant 3125 : i32
    %lt3A_20 = arith.cmpi slt, %add3A_18, %lt3A_19 : i32
    %convert_element_type3A_21 = arith.extui %lt3A_20 : i1 to i32
    %cond3A_22 = arith.constant 0 : i32
    %cond3A_23 = arith.cmpi ne, %convert_element_type3A_21, %cond3A_22 : i32
    scf.if %cond3A_23 {
      %dma_wait3A = arith.constant 0 : i32
      %dma_wait3A_31 = arith.constant 0 : i32
      %dma_wait3A_32 = tpu.memref_slice %arg5[%dma_wait3A, %dma_wait3A_31] : memref<800000x128xf32, #tpu.memory_space<hbm>> -> memref<256x128xf32, #tpu.memory_space<hbm>>
      %dma_wait3A_33 = arith.constant 0 : i32
      %dma_wait3A_34 = arith.constant 0 : i32
      %dma_wait3A_35 = tpu.memref_slice %arg5[%dma_wait3A_33, %dma_wait3A_34] : memref<800000x128xf32, #tpu.memory_space<hbm>> -> memref<256x128xf32, #tpu.memory_space<hbm>>
      tpu.wait_dma2 semaphore(%arg18 : memref<!tpu.dma_semaphore, #tpu.memory_space<semaphore_mem>>) src(%arg9 : memref<256x128xf32, #tpu.memory_space<vmem>>) dst(%dma_wait3A_35 : memref<256x128xf32, #tpu.memory_space<hbm>>)
    } else {
    }
    %add3A_24 = arith.constant 3104 : i32
    %add3A_25 = arith.addi %add3A, %add3A_24 : i32
    %lt3A_26 = arith.constant 3125 : i32
    %lt3A_27 = arith.cmpi slt, %add3A_25, %lt3A_26 : i32
    %convert_element_type3A_28 = arith.extui %lt3A_27 : i1 to i32
    %cond3A_29 = arith.constant 0 : i32
    %cond3A_30 = arith.cmpi ne, %convert_element_type3A_28, %cond3A_29 : i32
    scf.if %cond3A_30 {
      %dma_wait3A = arith.constant 0 : i32
      %dma_wait3A_31 = arith.constant 0 : i32
      %dma_wait3A_32 = tpu.memref_slice %arg5[%dma_wait3A, %dma_wait3A_31] : memref<800000x128xf32, #tpu.memory_space<hbm>> -> memref<256x128xf32, #tpu.memory_space<hbm>>
      %dma_wait3A_33 = arith.constant 0 : i32
      %dma_wait3A_34 = arith.constant 0 : i32
      %dma_wait3A_35 = tpu.memref_slice %arg5[%dma_wait3A_33, %dma_wait3A_34] : memref<800000x128xf32, #tpu.memory_space<hbm>> -> memref<256x128xf32, #tpu.memory_space<hbm>>
      tpu.wait_dma2 semaphore(%arg19 : memref<!tpu.dma_semaphore, #tpu.memory_space<semaphore_mem>>) src(%arg13 : memref<256x128xf32, #tpu.memory_space<vmem>>) dst(%dma_wait3A_35 : memref<256x128xf32, #tpu.memory_space<hbm>>)
    } else {
    }
    return
  }
}

</mosaic_0001>

<sc_bundles>
// kernel: kernel.3.cloned.1.call-start
scs
__scs_entry_jumppad:
0x0: {  	(pc) =	sbr.rel $0x88, $3  }
0x1: {  	(tag) =	ssettag $0x0;
	lr =	simm.s32 $0x1  }
0x2: {  	[smem:$0x3F9E] =	sst lr;
	_ =	strace $0xD0000000  }
0x3: {  	_ = 	snop  }
0x4: {  	_ = 	snop  }
0x5: {  	_ = 	snop  }
0x6: {  	_ = 	snop  }
0x7: {  	_ = 	snop  }
__scs_overlays_trampoline_lowered:
0x8: {  	[smem:$0x3FAD] =	sst s0  }
0x9: {  	[smem:$0x3FAE] =	sst s1  }
0xa: {  	[smem:$0x3FAF] =	sst s2  }
0xb: {  	[smem:$0x3FB0] =	sst s3  }
0xc: {  	[smem:$0x3FB1] =	sst s4  }
0xd: {  	[smem:$0x3FB2] =	sst s5  }
0xe: {  	[smem:$0x3FB3] =	sst s6  }
0xf: {  	[smem:$0x3FB4] =	sst s7  }
0x10: {  	[smem:$0x3FB5] =	sst s8  }
0x11: {  	[smem:$0x3FB6] =	sst s9;
	s0 =	simm.s32 @!p0 $0x0  }
0x12: {  	s1 =	sld [smem:$0x3F9C];
	s0 =	simm.s32 @p0 $0x1  }
0x13: {  	[smem:$0x3FB7] =	sst s0;
	s0 =	simm.s32 @!p1 $0x0  }
0x14: {  	s2 =	sld [smem:$0x3F9B];
	s0 =	simm.s32 @p1 $0x1  }
0x15: {  	[smem:$0x3FB8] =	sst s0;
	s0 =	simm.s32 @!p2 $0x0  }
0x16: {  	s3 =	sld [smem:$0x3FDB];
	s0 =	simm.s32 @p2 $0x1  }
0x17: {  	s4 =	simm.s32 $0x1BF5;
	[smem:$0x3FBA] =	sst s0  }
0x18: {  	s0 =	sld [smem:$0x3F9D];
	_ =	swait.ge [sflag:s4], $0x0  }
0x19: {  	s7 =	sld [smem:$0x3F9E]  }
0x1a: {  	s8 =	sadd.s32 $0xFFFFE003, lr  }
0x1b: {  	s9 =	sadd.s32 $0xFFFFFEF7, lr;
	s5 =	simm.s32 $0xFFFFFFFF;
	p2 =	slt.u32 s8, $0xFFFFF086  }
0x1c: {  	p1 =	slt.u32 s9, $0xF7A;
	s5 =	simm.s32 @!p2 $0x0  }
0x1d: {  	s5 =	simm.s32 @p1 $0x1;
	p0 =	seq.s32 s7, s2  }
0x1e: {  	s7 =	smul.u32 @!p0 $0xF7A, s2;
	p2 =	seq.s32 @!p0 s5, $0x0  }
0x1f: {  	s9 =	smul.u32 $0xF7A, s1;
	s8 =	simm.s32 @!p0 $0x1BF5;
	p2 =	por !p2, p0  }
0x20: {  	[sflag:s8] =	ssyncset.s32 @!p0 $0xFFFFF086;
	s6 =	sadd.s32 @!p0 s3, s7;
	s7 =	simm.s32 @!p0 $0x108  }
0x21: {  	s3 =	sadd.s32 s3, s9;
	s6 =	sadd.s32 @!p0 $0x88, s6;
	s7 =	simm.s32 @p2 $0x1082  }
0x22: {  	[simem:s7], [sflag:s8] =	dma.local @!p0 [hbm:s6], $0xF7A  }
0x23: {  	s9 =	sor.u32 $0xD0000000, s2;
	s6 =	simm.s32 $0x108;
	_ =	swait.ge @!p0 [sflag:s8], $0x0  }
0x24: {  	s3 =	sadd.s32 $0x88, s3;
	s6 =	simm.s32 @!p1 $0x1082;
	[sflag:s4] =	ssyncset.s32 $0xFFFFF086  }
0x25: {  	[simem:s6], [sflag:s4] =	dma.local [hbm:s3], $0xF7A  }
0x26: {  	[smem:$0x3F9E] =	sst s1;
	(tag) =	ssettag s2;
	_ =	strace s9  }
0x27: {  	s1 =	sld [smem:$0x3FAE]  }
0x28: {  	s2 =	sld [smem:$0x3FAF]  }
0x29: {  	s4 =	sld [smem:$0x3FB1]  }
0x2a: {  	p0 =	seq.s32 s5, $0x0;
	s5 =	sld [smem:$0x3FB2]  }
0x2b: {  	s6 =	sld [smem:$0x3FB3]  }
0x2c: {  	s7 =	sld [smem:$0x3FB4]  }
0x2d: {  	s3 =	simm.s32 $0x108;
	s8 =	sld [smem:$0x3FB5]  }
0x2e: {  	s3 =	simm.s32 @!p0 $0x1082;
	s9 =	sld [smem:$0x3FB6]  }
0x2f: {  	lr =	sadd.s32 s0, s3;
	s0 =	sld [smem:$0x3FAD]  }
0x30: {  	s3 =	sld [smem:$0x3FB0]  }
0x31: {  	[smem:$0x3FB9] =	sst s10  }
0x32: {  	s10 =	sld [smem:$0x3FB7];
	_ =	sdelay $0x3  }
0x33: {  	p0 =	seq.s32 s10, $0x1;
	s10 =	sld [smem:$0x3FB9];
	_ =	sdelay $0x3  }
0x34: {  	[smem:$0x3FB9] =	sst s10  }
0x35: {  	s10 =	sld [smem:$0x3FB8];
	_ =	sdelay $0x3  }
0x36: {  	p1 =	seq.s32 s10, $0x1;
	s10 =	sld [smem:$0x3FB9];
	_ =	sdelay $0x3  }
0x37: {  	[smem:$0x3FB9] =	sst s10  }
0x38: {  	s10 =	sld [smem:$0x3FBA]  }
0x39: {  	_ = 	snop;
	(pc) =	sbr.ind lr, $3  }
0x3a: {  	_ = 	snop  }
0x3b: {  	_ = 	snop  }
0x3c: {  	p2 =	seq.s32 s10, $0x1;
	s10 =	sld [smem:$0x3FB9]  }
0x3d: {  	_ =	shalt  }
0x3e: {  	_ =	shalt  }
0x3f: {  	_ =	shalt  }
0x40: {  	_ =	shalt  }
0x41: {  	_ =	shalt  }
0x42: {  	_ =	shalt  }
0x43: {  	_ =	shalt  }
0x44: {  	_ =	shalt  }
0x45: {  	_ =	shalt  }
0x46: {  	_ =	shalt  }
0x47: {  	_ =	shalt  }
0x48: {  	_ =	shalt  }
0x49: {  	_ =	shalt  }
0x4a: {  	_ =	shalt  }
0x4b: {  	_ =	shalt  }
0x4c: {  	_ =	shalt  }
0x4d: {  	_ =	shalt  }
0x4e: {  	_ =	shalt  }
0x4f: {  	_ =	shalt  }
0x50: {  	_ =	shalt  }
0x51: {  	_ =	shalt  }
0x52: {  	_ =	shalt  }
0x53: {  	_ =	shalt  }
0x54: {  	_ =	shalt  }
0x55: {  	_ =	shalt  }
0x56: {  	_ =	shalt  }
0x57: {  	_ =	shalt  }
0x58: {  	_ =	shalt  }
0x59: {  	_ =	shalt  }
0x5a: {  	_ =	shalt  }
0x5b: {  	_ =	shalt  }
0x5c: {  	_ =	shalt  }
0x5d: {  	_ =	shalt  }
0x5e: {  	_ =	shalt  }
0x5f: {  	_ =	shalt  }
0x60: {  	_ =	shalt  }
0x61: {  	_ =	shalt  }
0x62: {  	_ =	shalt  }
0x63: {  	_ =	shalt  }
0x64: {  	_ =	shalt  }
0x65: {  	_ =	shalt  }
0x66: {  	_ =	shalt  }
0x67: {  	_ =	shalt  }
0x68: {  	_ =	shalt  }
0x69: {  	_ =	shalt  }
0x6a: {  	_ =	shalt  }
0x6b: {  	_ =	shalt  }
0x6c: {  	_ =	shalt  }
0x6d: {  	_ =	shalt  }
0x6e: {  	_ =	shalt  }
0x6f: {  	_ =	shalt  }
0x70: {  	_ =	shalt  }
0x71: {  	_ =	shalt  }
0x72: {  	_ =	shalt  }
0x73: {  	_ =	shalt  }
0x74: {  	_ =	shalt  }
0x75: {  	_ =	shalt  }
0x76: {  	_ =	shalt  }
0x77: {  	_ =	shalt  }
0x78: {  	_ =	shalt  }
0x79: {  	_ =	shalt  }
0x7a: {  	_ =	shalt  }
0x7b: {  	_ =	shalt  }
0x7c: {  	_ =	shalt  }
0x7d: {  	_ =	shalt  }
0x7e: {  	_ =	shalt  }
0x7f: {  	_ =	shalt  }
0x80: {  	_ =	shalt  }
0x81: {  	_ =	shalt  }
0x82: {  	_ =	shalt  }
0x83: {  	_ =	shalt  }
0x84: {  	_ =	shalt  }
0x85: {  	_ =	shalt  }
0x86: {  	_ =	shalt  }
0x87: {  	_ =	shalt  }
.Lfunc_end0:
.L_simem_size_0:
called_computation_lowered:
.L_overlay_start_0:
0x88: {  	s2 =	sld [smem:$0x3FD9]  }
0x89: {  	s3 =	sld [smem:$0x3FFE];
	_ =	sdelay $0x1  }
0x8a: {  	s1 =	srdreg.scid  }
0x8b: {  	s0 =	sand.u32 $0x1, s1  }
0x8c: {  	s17 =	sshll.u32 s0, $0xA;
	s2 =	sadd.s32 s3, s2  }
0x8d: {  	s2 =	sadd.s32 s2, s17  }
0x8e: {  	[smem:$0x3FC5] =	sst s2  }
0x8f: {  	_ = 	snop  }
0x90: {  	s2 =	sld [smem:$0x3FC9]  }
0x91: {  	s18 =	sld [smem:$0x3FC8]  }
0x92: {  	s4 =	sld [smem:$0x3FD0];
	(tm) =	ssettm $0x1  }
0x93: {  	s5 =	sld [smem:$0x3FFB];
	_ =	sdelay $0x3  }
0x94: {  	_ =	strace s5  }
0x95: {  	s5 =	sld [smem:$0x3FFC];
	_ =	sdelay $0x3  }
0x96: {  	_ =	strace s5  }
0x97: {  	s5 =	sld [smem:$0x3FFD];
	_ =	sdelay $0x3  }
0x98: {  	_ =	strace s5  }
0x99: {  	_ =	strace $0x8FFFFFFF  }
0x9a: {  	s19 =	sld [smem:$0x3FDB];
	_ =	sdelay $0x1  }
0x9b: {  	s6 =	simm.s32 $_scs_section_size  }
0x9c: {  	s7 =	simm.s32 $_size__tile_overlayer_lowered;
	s8 =	simm.s32 $_tile_overlayer_lowered  }
0x9d: {  	s22 =	simm.s32 $0x1BFF;
	s21 =	sshll.u32 s8, $0x1;
	s5 =	sadd.s32 s6, s19  }
0x9e: {  	s9 =	simm.s32 $0x0;
	s20 =	sshll.u32 s7, $0x1;
	s7 =	sadd.s32 s21, s5  }
0x9f: {  	[timem:s9], [sflag:s22] =	dma.local [hbm:s7], s20  }
0xa0: {  	_ =	swait.ge [sflag:s22], s20  }
0xa1: {  	s6 =	ssub.s32 $0x0, s20;
	[sflag:s22] =	ssyncset.done $0x0  }
0xa2: {  	[sflag:s22] =	ssyncadd.s32 s6;
	_ =	sdelay $0x1  }
0xa3: {  	s23 =	simm.s32 $0x1B8B  }
0xa4: {  	_ =	swait.ge [sflag:s23], $0x1  }
0xa5: {  	[sflag:s23] =	ssyncset.done $0x0  }
0xa6: {  	s25 =	simm.s32 $0x1B8E;
	s24 =	sld [smem:$0x3FFE];
	[sflag:s23] =	ssyncadd.s32 $0xFFFFFFFF  }
0xa7: {  	s26 =	simm.s32 $execute0_lowered;
	[smem:$0x3FD2] =	sst s25  }
0xa8: {  	s7 =	sshll.u32 s26, $0x1;
	_ =	strace $0x80000046;
	[dreg:$0x1] =	wrdreg $0xFFFFFFFF  }
0xa9: {  	s28 =	simm.s32 $_size_execute0_lowered;
	s5 =	sadd.s32 s5, s7;
	[dreg:$0x0] =	wrdreg $0x0  }
0xaa: {  	s7 =	sshll.u32 s28, $0x1;
	[dreg:$0x2] =	wrdreg s5  }
0xab: {  	[dreg:$0x3] =	wrdreg s7  }
0xac: {  	[dreg:$0x4] =	wrdreg $0xC0  }
0xad: {  	_ =	task [dreg:s9], $0x5FFFF  }
0xae: {  	[dreg:$0x1] =	wrdreg $0xFFFFFFFF  }
0xaf: {  	[dreg:$0x0] =	wrdreg $0x60  }
0xb0: {  	[dreg:$0x2] =	wrdreg s2  }
0xb1: {  	[dreg:$0x3] =	wrdreg s18  }
0xb2: {  	[dreg:$0x4] =	wrdreg s24  }
0xb3: {  	[dreg:$0x5] =	wrdreg s4  }
0xb4: {  	[dreg:$0x6] =	wrdreg $0x9  }
0xb5: {  	_ =	task.clear_ibuf [dreg:s9], $0x7FFFF;
	_ =	strace $0x90000046  }
0xb6: {  	s29 =	simm.s32 $0x9;
	_ =	strace $0x80000048  }
0xb7: {  	_ =	swait.ge [sflag:s29], $0x1  }
0xb8: {  	[sflag:s29] =	ssyncadd.s32 $0xFFFFFFFF  }
0xb9: {  	_ =	strace $0x90000048  }
0xba: {  	_ =	sfence  }
0xbb: {  	s30 =	sld [smem:$0x0];
	_ =	sdelay $0x2  }
0xbc: {  	s31 =	sshll.u32 s1, $0xD;
	s1 =	sshrl.u32 s1, $0x2  }
0xbd: {  	s3 =	sand.u32 $0x4000, s31;
	s1 =	sadd.s32 s1, s30  }
0xbe: {  	s0 =	sor.u32 s3, s0;
	s1 =	sshll.u32 s1, $0x11  }
0xbf: {  	s0 =	sor.u32 s1, s0  }
0xc0: {  	s0 =	sadd.s32 $0x8F2B, s0  }
0xc1: {  	[sflag:s0] =	ssyncadd.remote.s32 $0x1  }
0xc2: {  	_ =	sfence.sel $0xFFFF  }
0xc3: {  	[dreg:$0x0] =	wrdreg $0xFFFFFFFF;
	(pc) =	sbr.abs _section_cstart, $3  }
0xc4: {  	[dreg:$0x1] =	wrdreg $0xFFFFFFFF  }
0xc5: {  	_ =	task.clear_ibuf [dreg:s9], $0x2FFFF;
	_ =	strace $0x9FFFFFFF  }
0xc6: {  	(tm) =	ssettm $0x7FFFFFFF  }
0xc7: {  	_ =	shalt  }
tec
execute0_lowered:
.L_overlay_start_1:
0x0: {  	(tag) =	ssettag $0x1  }
0x1: {  	s1 =	rddreg [dreg:$0x0]  }
0x2: {  	s2 =	rddreg [dreg:$0x1]  }
0x3: {  	s0 =	rddreg [dreg:$0x2]  }
0x4: {  	s4 =	rddreg [dreg:$0x3]  }
0x5: {  	s3 =	srdreg.scid;
	s6 =	stileid.u32  }
0x6: {  	s5 =	simm.s32 $0x0;
	s15 =	simm.s32 $0x100;
	s17 =	simm.s32 $0x8400  }
0x7: {  	s18 =	simm.s32 $0x1;
	s19 =	simm.s32 $0x200;
	s20 =	simm.s32 $0x300  }
0x8: {  	s21 =	simm.s32 $0x3;
	s22 =	simm.s32 $0x2;
	s23 =	simm.s32 $0x8500  }
0x9: {  	s24 =	simm.s32 $0x8600;
	s25 =	simm.s32 $0x4;
	s26 =	simm.s32 $0x5  }
0xa: {  	s28 =	simm.s32 $0x0;
	s3 =	sand.u32 $0x1, s3;
	s6 =	sshll.u32 s6, $0x1  }
0xb: {  	[smem:$0x7FF] =	sst s5;
	s7 =	sadd.s32 $0x400, s0;
	s8 =	ssub.s32 $0x2, s3  }
.Ltmp0:
0xc: {  	s6 =	sor.u32 s3, s6;
	_ =	strace $0x80000047;
	(pc) =	sbr.rel .LBB2_1-.Ltmp0, $4  }
0xd: {  	s29 =	sshrl.u32 s8, $0x1;
	s9 =	sshll.u32 s6, $0x5;
	s12 =	sor.u32 $0x40, s6  }
0xe: {  	s13 =	sor.u32 $0x60, s6;
	p0 =	sgt.u32 s6, $0x14;
	s30 =	ssub.s32 s8, s29  }
0xf: {  	s31 =	sor.u32 $0x400, s9;
	s8 =	sadd.s32 s1, s9;
	s9 =	sadd.s32 s2, s9  }
0x10: {  	s10 =	sadd.s32 s1, s31;
	s11 =	sadd.s32 s2, s31;
	s14 =	smax.u32 s30, $0x1  }
.LBB2_9:
0x11: {  	s28 =	sadd.s32 $0x1, s28  }
0x12: {  	_ =	swait.ge [sflag:s26], $0x8000;
	p1 =	sne.s32 s28, s14  }
.Ltmp1:
0x13: {  	[sflag:s26] =	ssyncset.done $0x0;
	(pc) =	sbr.rel @!p1 .LBB2_10-.Ltmp1, $4  }
0x14: {  	s0 =	simm.s32 @!p0 $0x6;
	[sflag:s26] =	ssyncadd.s32 $0xFFFF8000  }
0x15: {  	_ =	swait.ge @!p0 [sflag:s0], $0x8000  }
0x16: {  	[sflag:s0] =	ssyncset.done @!p0 $0x0  }
0x17: {  	[sflag:s0] =	ssyncadd.s32 @!p0 $0xFFFF8000  }
.LBB2_1:
0x18: {  	[tilespmem:s5], [sflag:$0x1] =	stream.linear.gather [hbm4b:s8+s5], $0x100, $0x38;
	[tilespmem:$0x10600] =	vst v63  }
0x19: {  	_ = 	snop  }
0x1a: {  	[tilespmem:s15], [sflag:$0x1] =	stream.linear.gather [hbm4b:s9+s5], $0x100, $0x38;
	[tilespmem:$0x10600] =	vst v63  }
.Ltmp2:
0x1b: {  	_ = 	snop;
	(pc) =	sbr.rel .LBB2_2-.Ltmp2, $4  }
0x1c: {  	s0 =	simm.s32 $0x8300  }
0x1d: {  	[tilespmem:s0], [sflag:$0x2] =	stream.linear.gather [hbm4b:s10+s5], $0x100, $0x38;
	[tilespmem:$0x10600] =	vst v63  }
0x1e: {  	s29 =	simm.s32 $0x0  }
0x1f: {  	[tilespmem:s17], [sflag:$0x2] =	stream.linear.gather [hbm4b:s11+s5], $0x100, $0x38;
	[tilespmem:$0x10600] =	vst v63  }
.LBB2_8:
0x20: {  	s29 =	sadd.s32 $0x1, s29  }
0x21: {  	p1 =	sne.s32 s29, $0x31  }
.Ltmp3:
0x22: {  	_ = 	snop;
	(pc) =	sbr.rel @!p1 .LBB2_9-.Ltmp3, $1  }
0x23: {  	_ =	sdelay $0x3  }
.LBB2_2:
0x24: {  	p1 =	seq.s32 s29, $0x0  }
0x25: {  	s0 =	simm.s32 @!p1 $0x5  }
0x26: {  	_ =	swait.ge @!p1 [sflag:s0], $0x8000  }
0x27: {  	[sflag:s0] =	ssyncset.done @!p1 $0x0  }
0x28: {  	[sflag:s0] =	ssyncadd.s32 @!p1 $0xFFFF8000  }
0x29: {  	_ =	swait.ge [sflag:s18], $0x100  }
0x2a: {  	[sflag:s18] =	ssyncset.done $0x0  }
0x2b: {  	[sflag:s18] =	ssyncadd.s32 $0xFFFFFF00  }
0x2c: {  	_ =	swait.ge [sflag:s18], $0x100  }
0x2d: {  	[sflag:s18] =	ssyncset.done $0x0  }
0x2e: {  	s0 =	simm.s32 $0x0;
	[sflag:s18] =	ssyncadd.s32 $0xFFFFFF00  }
0x2f: {  	s30 =	sshll.u32 s29, $0x6;
	v0 =	vld [tilespmem:s0+$0x0]  }
0x30: {  	s3 =	simm.s32 $0x40;
	s31 =	sor.u32 s6, s30;
	v1 =	vld [tilespmem:s0+$0x100]  }
.LBB2_3:
0x31: {  	_ = 	snop  }
0x32: {  	p2 =	sne.s32 s3, $0x3C0  }
.Ltmp4:
0x33: {  	_ = 	snop;
	(pc) =	sbr.rel @p2 .LBB2_3-.Ltmp4, $4  }
0x34: {  	v2 =	vmul.u32 $0x16, v0  }
0x35: {  	s16 =	sshra.s32 s3, $0x2  }
0x36: {  	v0 =	vld [tilespmem:s16+$0x0];
	v2 =	vadd.s32 v1, v2  }
0x37: {  	s3 =	sadd.s32 $0x40, s3;
	v1 =	vld [tilespmem:s16+$0x100];
	[tilespmem:s0+$0x200] =	vst v2;
	s0 =	smov.u32 s16  }
0x38: {  	_ =	sdelay $0x2  }
0x39: {  	s3 =	sadd.s32 s12, s30;
	v0 =	vmul.u32 $0x16, v0  }
0x3a: {  	p2 =	sgt.u32 s3, $0xC34  }
0x3b: {  	s3 =	sshll.u32 @!p2 s3, $0x5;
	v0 =	vadd.s32 v1, v0  }
0x3c: {  	s16 =	simm.s32 @!p2 $0x0;
	[tilespmem:s0+$0x200] =	vst v0;
	s0 =	sadd.s32 @!p2 s1, s3  }
0x3d: {  	[tilespmem:s16], [sflag:$0x1] =	stream.linear.gather @!p2 [hbm4b:s0+s16], $0x100, $0x38;
	[tilespmem:$0x10600] =	vst v63  }
0x3e: {  	s0 =	sadd.s32 @!p2 s2, s3;
	s3 =	simm.s32 @!p2 $0x100  }
0x3f: {  	[tilespmem:s3], [sflag:$0x1] =	stream.linear.gather @!p2 [hbm4b:s0+s16], $0x100, $0x38;
	[tilespmem:$0x10600] =	vst v63  }
0x40: {  	_ = 	snop  }
0x41: {  	[tilespmem:s20], [sflag:$0x3] =	stream.indirect.gather [hbm4b:s7+s15], $0x80, s19, s15, $0xb8;
	[tilespmem:$0x10600] =	vst v63  }
0x42: {  	_ =	swait.ge [sflag:s21], $0x8000  }
0x43: {  	s16 =	sshll.u32 s31, $0xC;
	s31 =	sor.u32 $0x20, s31;
	[sflag:s21] =	ssyncset.done $0x0  }
0x44: {  	s0 =	sadd.s32 s4, s16;
	p2 =	sgt.u32 s31, $0xC34;
	[sflag:s21] =	ssyncadd.s32 $0xFFFF8000  }
0x45: {  	[hbm4b:s0+s5] =	stream.linear.scatter [tilespmem:s20], [sflag:$0x5], $0x8000, $0x38;
	[tilespmem:$0x10600] =	vst v63  }
.Ltmp5:
0x46: {  	_ = 	snop;
	(pc) =	sbr.rel @p2 .LBB2_8-.Ltmp5, $4  }
0x47: {  	s0 =	simm.s32 @!p1 $0x6  }
0x48: {  	_ =	swait.ge @!p1 [sflag:s0], $0x8000  }
0x49: {  	[sflag:s0] =	ssyncset.done @!p1 $0x0  }
0x4a: {  	[sflag:s0] =	ssyncadd.s32 @!p1 $0xFFFF8000  }
0x4b: {  	_ =	swait.ge [sflag:s22], $0x100  }
0x4c: {  	[sflag:s22] =	ssyncset.done $0x0  }
0x4d: {  	[sflag:s22] =	ssyncadd.s32 $0xFFFFFF00  }
0x4e: {  	_ =	swait.ge [sflag:s22], $0x100  }
0x4f: {  	[sflag:s22] =	ssyncset.done $0x0  }
0x50: {  	s0 =	simm.s32 $0x0;
	[sflag:s22] =	ssyncadd.s32 $0xFFFFFF00  }
0x51: {  	v1 =	vld [tilespmem:s0+$0x8300]  }
0x52: {  	s3 =	simm.s32 $0x40;
	v0 =	vld [tilespmem:s0+$0x8400]  }
.LBB2_6:
0x53: {  	_ = 	snop  }
0x54: {  	p1 =	sne.s32 s3, $0x3C0  }
.Ltmp6:
0x55: {  	_ = 	snop;
	(pc) =	sbr.rel @p1 .LBB2_6-.Ltmp6, $4  }
0x56: {  	v2 =	vmul.u32 $0x16, v1  }
0x57: {  	s16 =	sshra.s32 s3, $0x2  }
0x58: {  	v1 =	vld [tilespmem:s16+$0x8300];
	v2 =	vadd.s32 v0, v2  }
0x59: {  	s3 =	sadd.s32 $0x40, s3;
	v0 =	vld [tilespmem:s16+$0x8400];
	[tilespmem:s0+$0x8500] =	vst v2;
	s0 =	smov.u32 s16  }
0x5a: {  	_ =	sdelay $0x2  }
0x5b: {  	s3 =	sadd.s32 s13, s30;
	v1 =	vmul.u32 $0x16, v1  }
0x5c: {  	p1 =	sgt.u32 s3, $0xC34  }
0x5d: {  	s3 =	sshll.u32 @!p1 s3, $0x5;
	v0 =	vadd.s32 v0, v1  }
0x5e: {  	s16 =	simm.s32 @!p1 $0x0;
	s30 =	simm.s32 @!p1 $0x8300;
	[tilespmem:s0+$0x8500] =	vst v0;
	s0 =	sadd.s32 @!p1 s1, s3  }
0x5f: {  	[tilespmem:s30], [sflag:$0x2] =	stream.linear.gather @!p1 [hbm4b:s0+s16], $0x100, $0x38;
	[tilespmem:$0x10600] =	vst v63  }
0x60: {  	s0 =	sadd.s32 @!p1 s2, s3;
	s3 =	simm.s32 @!p1 $0x8400  }
0x61: {  	[tilespmem:s3], [sflag:$0x2] =	stream.linear.gather @!p1 [hbm4b:s0+s16], $0x100, $0x38;
	[tilespmem:$0x10600] =	vst v63  }
0x62: {  	_ = 	snop  }
0x63: {  	[tilespmem:s24], [sflag:$0x4] =	stream.indirect.gather [hbm4b:s7+s15], $0x80, s23, s15, $0xb8;
	[tilespmem:$0x10600] =	vst v63  }
.Ltmp7:
0x64: {  	_ = 	snop;
	(pc) =	sbr.rel .LBB2_8-.Ltmp7, $4  }
0x65: {  	_ =	swait.ge [sflag:s25], $0x8000  }
0x66: {  	s31 =	sshll.u32 s31, $0xC;
	[sflag:s25] =	ssyncset.done $0x0  }
0x67: {  	s0 =	sadd.s32 s4, s31;
	[sflag:s25] =	ssyncadd.s32 $0xFFFF8000  }
0x68: {  	[hbm4b:s0+s5] =	stream.linear.scatter [tilespmem:s24], [sflag:$0x6], $0x8000, $0x38;
	[tilespmem:$0x10600] =	vst v63  }
.LBB2_10:
0x69: {  	_ =	sfence.sel $0x180000  }
0x6a: {  	[bflag:$0x0] =	sbarrier.arrive $0xFFFF  }
0x6b: {  	_ =	strace $0x90000047  }
0x6c: {  	s0 =	stileid.u32;
	[bflag:$0x2] =	sbarrier.arrive $0xFFFF  }
0x6d: {  	p0 =	sne.s32 s0, $0x0;
	s0 =	rddreg [dreg:$0x4]  }
0x6e: {  	s0 =	sadd.s32 @!p0 $0x100000, s0  }
0x6f: {  	[sflag:s0] =	ssyncadd.tile.s32 @!p0 $0x1;
	_ =	shalt  }
.Lfunc_end2:
_tile_overlayer_lowered:
.L_overlay_start_2:
0x70: {  	(tag) =	ssettag $0x2  }
0x71: {  	s0 =	rddreg [dreg:$0x0];
	s2 =	stileid.u32  }
0x72: {  	s1 =	rddreg [dreg:$0x1];
	p0 =	sne.s32 s2, $0x0  }
0x73: {  	s3 =	rddreg [dreg:$0x2];
	[bflag:$0x3] =	sbarrier.arrive $0xFFFF;
	s2 =	simm.s32 @!p0 $0x1C07  }
0x74: {  	[timem:s3], [sflag:s2] =	dma.local @!p0 [hbm:s0], s1  }
0x75: {  	s0 =	simm.s32 @!p0 $0x7  }
0x76: {  	_ =	swait.ge @!p0 [sflag:s0], s1  }
0x77: {  	s1 =	ssub.s32 @!p0 $0x0, s1;
	[sflag:s0] =	ssyncset.done @!p0 $0x0  }
0x78: {  	[sflag:s0] =	ssyncadd.s32 @!p0 s1  }
0x79: {  	[bflag:$0x3] =	sbarrier.arrive $0xFFFF  }
0x7a: {  	_ =	shalt  }

</sc_bundles>
